<compile_context>
chip_gen: v7x
topology: tpu7x:2x2x1
jax: 0.10.2.dev20260603
libtpu: 0.0.44.dev20260713+nightly
codegen_flags: <defaults>
</compile_context>

<pallas_src>
import jax
import jax.numpy as jnp
import numpy as np
from jax.experimental import pallas as pl
from jax.experimental.pallas import tpu as pltpu

_SR = 44100.0
_N_FFT = 2048
_N_BANDS = 64
_F = _N_FFT // 2 + 1
_WIN = 256
_FPAD = 1152


def _band_starts() -> np.ndarray:
    f_sp = 200.0 / 3.0
    min_log_hz = 1000.0
    min_log_mel = min_log_hz / f_sp
    logstep = np.log(6.4) / 27.0

    def hz_to_mel(f):
        f = np.asarray(f, dtype=np.float64)
        return np.where(f >= min_log_hz,
                        min_log_mel + np.log(np.maximum(f, 1e-12) / min_log_hz) / logstep,
                        f / f_sp)

    def mel_to_hz(m):
        m = np.asarray(m, dtype=np.float64)
        return np.where(m >= min_log_mel,
                        min_log_hz * np.exp(logstep * (m - min_log_mel)),
                        f_sp * m)

    n_mels = _N_BANDS - 2
    mel_f = mel_to_hz(np.linspace(hz_to_mel(0.0), hz_to_mel(_SR / 2.0), n_mels + 2))
    fftfreqs = np.linspace(0.0, _SR / 2.0, _F)
    fdiff = np.diff(mel_f)
    ramps = mel_f[:, None] - fftfreqs[None, :]
    lower = -ramps[:-2] / fdiff[:-1][:, None]
    upper = ramps[2:] / fdiff[1:][:, None]
    mb = np.maximum(0.0, np.minimum(lower, upper))

    mb0 = np.zeros(_F)
    i0 = int(np.argmax(mb[0]))
    mb0[:i0] = 1.0 - mb[0, :i0]
    mbl = np.zeros(_F)
    il = int(np.argmax(mb[-1]))
    mbl[il:] = 1.0 - mb[-1, il:]
    melbanks = np.concatenate([mb0[None, :], mb, mbl[None, :]], axis=0)
    starts = np.array([int(np.nonzero(np.abs(melbanks[k]) > 1e-6)[0][0])
                       for k in range(_N_BANDS)], dtype=np.int32)
    return starts


_STARTS = _band_starts()
_ABLOCK = _STARTS // 128
_RSHIFT = _STARTS - 128 * _ABLOCK


_BPS = 4


def _band_kernel(tab_ref, xt_ref, w_ref, ola_ref, out_ref, acc_ref):
    k = pl.program_id(0)

    @pl.when(k == 0)
    def _zero():
        acc_ref[...] = jnp.zeros_like(acc_ref)

    zeros = jnp.zeros((4 * 256, 256 - 125), jnp.float32)
    for i in range(_BPS):
        band = k * _BPS + i
        y = jnp.dot(xt_ref[i].astype(jnp.bfloat16), w_ref[i],
                    preferred_element_type=jnp.float32)
        ws = tab_ref[0, band] * 128
        r = tab_ref[1, band]
        y0 = pltpu.roll(jnp.concatenate([y[:, :125], zeros], axis=1), r, 1)
        y1 = pltpu.roll(jnp.concatenate([y[:, 125:250], zeros], axis=1), r, 1)
        acc_ref[:, 0, :, pl.ds(ws, _WIN)] += y0.reshape(4, 256, _WIN)
        acc_ref[:, 1, :, pl.ds(ws, _WIN)] += y1.reshape(4, 256, _WIN)

    @pl.when(k == _N_BANDS // _BPS - 1)
    def _flush():
        out_ref[...] = acc_ref[:, :, :, :1088] * (1.0 / ola_ref[...])


@jax.jit
def kernel(x, post_w, post_b, melbanks_pad, ola_window, idxes_pad):
    B, D, T, K = x.shape
    W = post_w.shape[-1]
    C = post_w.shape[2]

    xt = jnp.transpose(x, (3, 0, 2, 1)).reshape(K, B * T, D)

    wm = post_w * melbanks_pad[:, None, None, :]
    wprep = wm.reshape(K, D, C * W).astype(jnp.bfloat16)
    ola2d = jnp.pad(ola_window, (0, 1088 - _F),
                    constant_values=1.0)[None, :]

    table = jnp.asarray(np.stack([_ABLOCK, _RSHIFT]), dtype=jnp.int32)

    grid_spec = pltpu.PrefetchScalarGridSpec(
        num_scalar_prefetch=1,
        grid=(K // _BPS,),
        in_specs=[
            pl.BlockSpec((_BPS, B * T, D), lambda k, s: (k, 0, 0)),
            pl.BlockSpec((_BPS, D, C * W), lambda k, s: (k, 0, 0)),
            pl.BlockSpec((1, 1088), lambda k, s: (0, 0)),
        ],
        out_specs=pl.BlockSpec((B, C, T, 1088), lambda k, s: (0, 0, 0, 0)),
        scratch_shapes=[pltpu.VMEM((B, C, T, _FPAD), jnp.float32)],
    )

    res = pl.pallas_call(
        _band_kernel,
        grid_spec=grid_spec,
        out_shape=jax.ShapeDtypeStruct((B, C, T, 1088), jnp.float32),
    )(table, xt, wprep, ola2d)
    return res[:, :, :, :_F]

# --- scband reference (transcript-rebuilt; emitter-appended) ---
"""Pipeline reference for scband-band-split-91173565760186 (READ-ONLY COPY).

The authoritative reference and input builder live on the scoring server;
editing this copy changes nothing except your own understanding.
"""

import jax, jax.numpy as jnp
import numpy as np

SR = 44100.0
N_FFT = 2048
N_BANDS = 64
IN_CH = 2
OUT_CH = 128
B = 4
T = 256
F = N_FFT // 2 + 1


def _hz_to_mel(f):
    f = np.asarray(f, dtype=np.float64)
    f_sp = 200.0 / 3.0
    mels = f / f_sp
    min_log_hz = 1000.0
    min_log_mel = min_log_hz / f_sp
    logstep = np.log(6.4) / 27.0
    return np.where(f >= min_log_hz, min_log_mel + np.log(np.maximum(f, 1e-12) / min_log_hz) / logstep, mels)


def _mel_to_hz(m):
    m = np.asarray(m, dtype=np.float64)
    f_sp = 200.0 / 3.0
    freqs = f_sp * m
    min_log_hz = 1000.0
    min_log_mel = min_log_hz / f_sp
    logstep = np.log(6.4) / 27.0
    return np.where(m >= min_log_mel, min_log_hz * np.exp(logstep * (m - min_log_mel)), freqs)


def _mel_filters(sr, n_fft, n_mels):
    # librosa.filters.mel(sr, n_fft, n_mels, norm=None), slaney mel scale, fmin=0, fmax=sr/2
    fmin, fmax = 0.0, sr / 2.0
    mel_f = _mel_to_hz(np.linspace(_hz_to_mel(fmin), _hz_to_mel(fmax), n_mels + 2))
    fftfreqs = np.linspace(0.0, sr / 2.0, 1 + n_fft // 2)
    fdiff = np.diff(mel_f)
    ramps = mel_f[:, None] - fftfreqs[None, :]
    lower = -ramps[:-2] / fdiff[:-1][:, None]
    upper = ramps[2:] / fdiff[1:][:, None]
    return np.maximum(0.0, np.minimum(lower, upper))


def _build_bands():
    mb = _mel_filters(SR, N_FFT, N_BANDS - 2)
    Fb = N_FFT // 2 + 1
    mb0 = np.zeros(Fb)
    i0 = int(np.argmax(mb[0]))
    mb0[:i0] = 1.0 - mb[0, :i0]
    mbl = np.zeros(Fb)
    il = int(np.argmax(mb[-1]))
    mbl[il:] = 1.0 - mb[-1, il:]
    melbanks = np.concatenate([mb0[None, :], mb, mbl[None, :]], axis=0)
    ola = np.sum(melbanks, axis=0)
    idx_list = [np.nonzero(np.abs(melbanks[f]) > 1e-6)[0] for f in range(N_BANDS)]
    W = max(len(i) for i in idx_list)
    idx_pad = np.zeros((N_BANDS, W), dtype=np.int32)
    mel_pad = np.zeros((N_BANDS, W), dtype=np.float32)
    mask = np.zeros((N_BANDS, W), dtype=np.float32)
    for f, idxs in enumerate(idx_list):
        L = len(idxs)
        idx_pad[f, :L] = idxs
        mel_pad[f, :L] = melbanks[f, idxs]
        mask[f, :L] = 1.0
    return idx_pad, mel_pad, mask, ola.astype(np.float32), W


def setup_inputs(seed: int = 0) -> dict:
    key = jax.random.key(seed)
    idx_pad, mel_pad, mask, ola, W = _build_bands()
    k1, k2 = jax.random.split(key)
    x = jax.random.normal(k1, (B, OUT_CH, T, N_BANDS), dtype=jnp.float32)
    bound = 1.0 / np.sqrt(OUT_CH)
    post_w = jax.random.uniform(k2, (N_BANDS, OUT_CH, IN_CH, W), minval=-bound, maxval=bound, dtype=jnp.float32)
    post_w = post_w * jnp.asarray(mask)[:, None, None, :]
    post_b = jnp.zeros((N_BANDS, IN_CH, W), dtype=jnp.float32)
    return {
        'x': x,
        'post_w': post_w,
        'post_b': post_b,
        'melbanks_pad': jnp.asarray(mel_pad),
        'ola_window': jnp.asarray(ola),
        'idxes_pad': jnp.asarray(idx_pad),
    }


def reference(x, post_w, post_b, melbanks_pad, ola_window, idxes_pad):
    # inverse_transform: mel-scale latent (B, D, T, K) -> STFT (B, C, T, F)
    Bx, D, Tx, K = x.shape
    # per-band einsum 'bot,oci->btci' vectorized over bands (padded width W)
    y = jnp.einsum('bdtk,kdcw->btkcw', x, post_w) + post_b[None, None, :, :, :]
    y = y * melbanks_pad[None, None, :, None, :]
    y = jnp.transpose(y, (0, 3, 1, 2, 4))  # (B, C, T, K, W)
    src = y.reshape(Bx, IN_CH, Tx, K * melbanks_pad.shape[1])
    idx_flat = idxes_pad.reshape(-1)
    out = jnp.zeros((Bx, IN_CH, Tx, F), dtype=x.dtype).at[:, :, :, idx_flat].add(src)
    out = out / ola_window
    return out

if __name__ == "__main__":
    import jax
    _d = setup_inputs()
    print(jax.jit(kernel)(*tuple(_d.values())))

</pallas_src>

<mosaic_0001>
module attributes {stable_mosaic.version = 14 : i64} {
  func.func @_band_kernel(%arg0: i32, %arg1: memref<2x64xi32, #tpu.memory_space<smem>>, %arg2: memref<4x1024x128xf32, #tpu.memory_space<vmem>>, %arg3: memref<4x128x250xbf16, #tpu.memory_space<vmem>>, %arg4: memref<1x1088xf32, #tpu.memory_space<vmem>>, %arg5: memref<4x2x256x1088xf32, #tpu.memory_space<vmem>>, %arg6: memref<4x2x256x1152xf32, #tpu.memory_space<vmem>>) attributes {dimension_semantics = [#tpu.dimension_semantics<arbitrary>], iteration_bounds = array<i64: 16>, scalar_prefetch = 1 : i64, scratch_operands = 1 : i64, tpu.core_type = #tpu.core_type<tc>, window_params = [{transform_indices = @transform_0, window_bounds = array<i64: 4, 1024, 128>}, {transform_indices = @transform_1, window_bounds = array<i64: 4, 128, 250>}, {pipeline_mode = #tpu.pipeline_mode<synchronous>, transform_indices = @transform_2, window_bounds = array<i64: 1, 1088>}, {pipeline_mode = #tpu.pipeline_mode<synchronous>, transform_indices = @transform_3, window_bounds = array<i64: 4, 2, 256, 1088>}]} {
    %eq3A = arith.constant 0 : i32
    %eq3A_0 = arith.cmpi eq, %arg0, %eq3A : i32
    %convert_element_type3A = arith.extui %eq3A_0 : i1 to i32
    %cond3A = arith.constant 0 : i32
    %cond3A_1 = arith.cmpi ne, %convert_element_type3A, %cond3A : i32
    scf.if %cond3A_1 {
      %broadcast_in_dim3A_243 = arith.constant 0.000000e+00 : f32
      %broadcast_in_dim3A_244 = vector.broadcast %broadcast_in_dim3A_243 : f32 to vector<4x2x256x1152xf32>
      %swap3A_245 = arith.constant 0 : index
      %swap3A_246 = arith.constant 0 : index
      %swap3A_247 = arith.constant 0 : index
      %swap3A_248 = arith.constant 0 : index
      %swap3A_249 = vector.load %arg6[%swap3A_245, %swap3A_246, %swap3A_247, %swap3A_248] : memref<4x2x256x1152xf32, #tpu.memory_space<vmem>>, vector<4x2x256x1152xf32>
      tpu.vector_store %arg6[%swap3A_245, %swap3A_246, %swap3A_247, %swap3A_248], %broadcast_in_dim3A_244 {strides = array<i32>} : memref<4x2x256x1152xf32, #tpu.memory_space<vmem>>, vector<4x2x256x1152xf32>,
    } else {
    }
    %broadcast_in_dim3A = arith.constant 0.000000e+00 : f32
    %broadcast_in_dim3A_2 = vector.broadcast %broadcast_in_dim3A : f32 to vector<1024x131xf32>
    %mul3A = arith.constant 4 : i32
    %mul3A_3 = arith.muli %arg0, %mul3A : i32
    %add3A = arith.constant 0 : i32
    %add3A_4 = arith.addi %mul3A_3, %add3A : i32
    %get3A = arith.constant 0 : index
    %get3A_5 = arith.constant 0 : index
    %get3A_6 = arith.constant 0 : index
    %get3A_7 = vector.load %arg2[%get3A, %get3A_5, %get3A_6] : memref<4x1024x128xf32, #tpu.memory_space<vmem>>, vector<1x1024x128xf32>
    %get3A_8 = vector.shape_cast %get3A_7 : vector<1x1024x128xf32> to vector<1024x128xf32>
    %convert_element_type3A_9 = arith.truncf %get3A_8 : vector<1024x128xf32> to vector<1024x128xbf16>
    %get3A_10 = arith.constant 0 : index
    %get3A_11 = arith.constant 0 : index
    %get3A_12 = arith.constant 0 : index
    %get3A_13 = vector.load %arg3[%get3A_10, %get3A_11, %get3A_12] : memref<4x128x250xbf16, #tpu.memory_space<vmem>>, vector<1x128x250xbf16>
    %get3A_14 = vector.shape_cast %get3A_13 : vector<1x128x250xbf16> to vector<128x250xbf16>
    %dot_general3A = arith.constant dense<0.000000e+00> : vector<1024x250xf32>
    %dot_general3A_15 = tpu.matmul %convert_element_type3A_9, %get3A_14, %dot_general3A {dimension_numbers = #tpu.dot_dimension_numbers<[1], [0], [0], [1], [0, 0, 1, 1], [], []>, transpose_lhs_hint = false} : vector<1024x128xbf16>, vector<128x250xbf16>, vector<1024x250xf32> -> vector<1024x250xf32>
    %get3A_16 = arith.constant 0 : index
    %get3A_17 = arith.index_cast %add3A_4 : i32 to index
    %get3A_18 = memref.load %arg1[%get3A_16, %get3A_17] : memref<2x64xi32, #tpu.memory_space<smem>>
    %mul3A_19 = arith.constant 128 : i32
    %mul3A_20 = arith.muli %get3A_18, %mul3A_19 : i32
    %get3A_21 = arith.constant 1 : index
    %get3A_22 = arith.index_cast %add3A_4 : i32 to index
    %get3A_23 = memref.load %arg1[%get3A_21, %get3A_22] : memref<2x64xi32, #tpu.memory_space<smem>>
    %slice3A = vector.extract_strided_slice %dot_general3A_15 {offsets = [0, 0], sizes = [1024, 125], strides = [1, 1]} : vector<1024x250xf32> to vector<1024x125xf32>
    %concatenate3A = tpu.concatenate %slice3A, %broadcast_in_dim3A_2 in 1 : vector<1024x125xf32>, vector<1024x131xf32> -> vector<1024x256xf32>
    %roll3A = tpu.dynamic_rotate %concatenate3A by %get3A_23 dim 1 : vector<1024x256xf32>, i32 -> vector<1024x256xf32>
    %slice3A_24 = vector.extract_strided_slice %dot_general3A_15 {offsets = [0, 125], sizes = [1024, 125], strides = [1, 1]} : vector<1024x250xf32> to vector<1024x125xf32>
    %concatenate3A_25 = tpu.concatenate %slice3A_24, %broadcast_in_dim3A_2 in 1 : vector<1024x125xf32>, vector<1024x131xf32> -> vector<1024x256xf32>
    %roll3A_26 = tpu.dynamic_rotate %concatenate3A_25 by %get3A_23 dim 1 : vector<1024x256xf32>, i32 -> vector<1024x256xf32>
    %get3A_27 = arith.constant 0 : index
    %get3A_28 = arith.constant 0 : index
    %get3A_29 = arith.constant 0 : index
    %get3A_30 = arith.index_cast %mul3A_20 : i32 to index
    %get3A_31 = vector.load %arg6[%get3A_27, %get3A_28, %get3A_29, %get3A_30] : memref<4x2x256x1152xf32, #tpu.memory_space<vmem>>, vector<4x1x256x256xf32>
    %get3A_32 = vector.shape_cast %get3A_31 : vector<4x1x256x256xf32> to vector<4x256x256xf32>
    %reshape3A = vector.shape_cast %roll3A : vector<1024x256xf32> to vector<4x256x256xf32>
    %add3A_33 = arith.addf %get3A_32, %reshape3A : vector<4x256x256xf32>
    %swap3A = arith.constant 0 : index
    %swap3A_34 = arith.constant 0 : index
    %swap3A_35 = arith.constant 0 : index
    %swap3A_36 = arith.index_cast %mul3A_20 : i32 to index
    %swap3A_37 = vector.load %arg6[%swap3A, %swap3A_34, %swap3A_35, %swap3A_36] : memref<4x2x256x1152xf32, #tpu.memory_space<vmem>>, vector<4x1x256x256xf32>
    %swap3A_38 = vector.shape_cast %swap3A_37 : vector<4x1x256x256xf32> to vector<4x256x256xf32>
    %swap3A_39 = vector.shape_cast %add3A_33 : vector<4x256x256xf32> to vector<4x1x256x256xf32>
    tpu.vector_store %arg6[%swap3A, %swap3A_34, %swap3A_35, %swap3A_36], %swap3A_39 {strides = array<i32>} : memref<4x2x256x1152xf32, #tpu.memory_space<vmem>>, vector<4x1x256x256xf32>,
    %get3A_40 = arith.constant 0 : index
    %get3A_41 = arith.constant 1 : index
    %get3A_42 = arith.constant 0 : index
    %get3A_43 = arith.index_cast %mul3A_20 : i32 to index
    %get3A_44 = vector.load %arg6[%get3A_40, %get3A_41, %get3A_42, %get3A_43] : memref<4x2x256x1152xf32, #tpu.memory_space<vmem>>, vector<4x1x256x256xf32>
    %get3A_45 = vector.shape_cast %get3A_44 : vector<4x1x256x256xf32> to vector<4x256x256xf32>
    %reshape3A_46 = vector.shape_cast %roll3A_26 : vector<1024x256xf32> to vector<4x256x256xf32>
    %add3A_47 = arith.addf %get3A_45, %reshape3A_46 : vector<4x256x256xf32>
    %swap3A_48 = arith.constant 0 : index
    %swap3A_49 = arith.constant 1 : index
    %swap3A_50 = arith.constant 0 : index
    %swap3A_51 = arith.index_cast %mul3A_20 : i32 to index
    %swap3A_52 = vector.load %arg6[%swap3A_48, %swap3A_49, %swap3A_50, %swap3A_51] : memref<4x2x256x1152xf32, #tpu.memory_space<vmem>>, vector<4x1x256x256xf32>
    %swap3A_53 = vector.shape_cast %swap3A_52 : vector<4x1x256x256xf32> to vector<4x256x256xf32>
    %swap3A_54 = vector.shape_cast %add3A_47 : vector<4x256x256xf32> to vector<4x1x256x256xf32>
    tpu.vector_store %arg6[%swap3A_48, %swap3A_49, %swap3A_50, %swap3A_51], %swap3A_54 {strides = array<i32>} : memref<4x2x256x1152xf32, #tpu.memory_space<vmem>>, vector<4x1x256x256xf32>,
    %mul3A_55 = arith.constant 4 : i32
    %mul3A_56 = arith.muli %arg0, %mul3A_55 : i32
    %add3A_57 = arith.constant 1 : i32
    %add3A_58 = arith.addi %mul3A_56, %add3A_57 : i32
    %get3A_59 = arith.constant 1 : index
    %get3A_60 = arith.constant 0 : index
    %get3A_61 = arith.constant 0 : index
    %get3A_62 = vector.load %arg2[%get3A_59, %get3A_60, %get3A_61] : memref<4x1024x128xf32, #tpu.memory_space<vmem>>, vector<1x1024x128xf32>
    %get3A_63 = vector.shape_cast %get3A_62 : vector<1x1024x128xf32> to vector<1024x128xf32>
    %convert_element_type3A_64 = arith.truncf %get3A_63 : vector<1024x128xf32> to vector<1024x128xbf16>
    %get3A_65 = arith.constant 1 : index
    %get3A_66 = arith.constant 0 : index
    %get3A_67 = arith.constant 0 : index
    %get3A_68 = vector.load %arg3[%get3A_65, %get3A_66, %get3A_67] : memref<4x128x250xbf16, #tpu.memory_space<vmem>>, vector<1x128x250xbf16>
    %get3A_69 = vector.shape_cast %get3A_68 : vector<1x128x250xbf16> to vector<128x250xbf16>
    %dot_general3A_70 = arith.constant dense<0.000000e+00> : vector<1024x250xf32>
    %dot_general3A_71 = tpu.matmul %convert_element_type3A_64, %get3A_69, %dot_general3A_70 {dimension_numbers = #tpu.dot_dimension_numbers<[1], [0], [0], [1], [0, 0, 1, 1], [], []>, transpose_lhs_hint = false} : vector<1024x128xbf16>, vector<128x250xbf16>, vector<1024x250xf32> -> vector<1024x250xf32>
    %get3A_72 = arith.constant 0 : index
    %get3A_73 = arith.index_cast %add3A_58 : i32 to index
    %get3A_74 = memref.load %arg1[%get3A_72, %get3A_73] : memref<2x64xi32, #tpu.memory_space<smem>>
    %mul3A_75 = arith.constant 128 : i32
    %mul3A_76 = arith.muli %get3A_74, %mul3A_75 : i32
    %get3A_77 = arith.constant 1 : index
    %get3A_78 = arith.index_cast %add3A_58 : i32 to index
    %get3A_79 = memref.load %arg1[%get3A_77, %get3A_78] : memref<2x64xi32, #tpu.memory_space<smem>>
    %slice3A_80 = vector.extract_strided_slice %dot_general3A_71 {offsets = [0, 0], sizes = [1024, 125], strides = [1, 1]} : vector<1024x250xf32> to vector<1024x125xf32>
    %concatenate3A_81 = tpu.concatenate %slice3A_80, %broadcast_in_dim3A_2 in 1 : vector<1024x125xf32>, vector<1024x131xf32> -> vector<1024x256xf32>
    %roll3A_82 = tpu.dynamic_rotate %concatenate3A_81 by %get3A_79 dim 1 : vector<1024x256xf32>, i32 -> vector<1024x256xf32>
    %slice3A_83 = vector.extract_strided_slice %dot_general3A_71 {offsets = [0, 125], sizes = [1024, 125], strides = [1, 1]} : vector<1024x250xf32> to vector<1024x125xf32>
    %concatenate3A_84 = tpu.concatenate %slice3A_83, %broadcast_in_dim3A_2 in 1 : vector<1024x125xf32>, vector<1024x131xf32> -> vector<1024x256xf32>
    %roll3A_85 = tpu.dynamic_rotate %concatenate3A_84 by %get3A_79 dim 1 : vector<1024x256xf32>, i32 -> vector<1024x256xf32>
    %get3A_86 = arith.constant 0 : index
    %get3A_87 = arith.constant 0 : index
    %get3A_88 = arith.constant 0 : index
    %get3A_89 = arith.index_cast %mul3A_76 : i32 to index
    %get3A_90 = vector.load %arg6[%get3A_86, %get3A_87, %get3A_88, %get3A_89] : memref<4x2x256x1152xf32, #tpu.memory_space<vmem>>, vector<4x1x256x256xf32>
    %get3A_91 = vector.shape_cast %get3A_90 : vector<4x1x256x256xf32> to vector<4x256x256xf32>
    %reshape3A_92 = vector.shape_cast %roll3A_82 : vector<1024x256xf32> to vector<4x256x256xf32>
    %add3A_93 = arith.addf %get3A_91, %reshape3A_92 : vector<4x256x256xf32>
    %swap3A_94 = arith.constant 0 : index
    %swap3A_95 = arith.constant 0 : index
    %swap3A_96 = arith.constant 0 : index
    %swap3A_97 = arith.index_cast %mul3A_76 : i32 to index
    %swap3A_98 = vector.load %arg6[%swap3A_94, %swap3A_95, %swap3A_96, %swap3A_97] : memref<4x2x256x1152xf32, #tpu.memory_space<vmem>>, vector<4x1x256x256xf32>
    %swap3A_99 = vector.shape_cast %swap3A_98 : vector<4x1x256x256xf32> to vector<4x256x256xf32>
    %swap3A_100 = vector.shape_cast %add3A_93 : vector<4x256x256xf32> to vector<4x1x256x256xf32>
    tpu.vector_store %arg6[%swap3A_94, %swap3A_95, %swap3A_96, %swap3A_97], %swap3A_100 {strides = array<i32>} : memref<4x2x256x1152xf32, #tpu.memory_space<vmem>>, vector<4x1x256x256xf32>,
    %get3A_101 = arith.constant 0 : index
    %get3A_102 = arith.constant 1 : index
    %get3A_103 = arith.constant 0 : index
    %get3A_104 = arith.index_cast %mul3A_76 : i32 to index
    %get3A_105 = vector.load %arg6[%get3A_101, %get3A_102, %get3A_103, %get3A_104] : memref<4x2x256x1152xf32, #tpu.memory_space<vmem>>, vector<4x1x256x256xf32>
    %get3A_106 = vector.shape_cast %get3A_105 : vector<4x1x256x256xf32> to vector<4x256x256xf32>
    %reshape3A_107 = vector.shape_cast %roll3A_85 : vector<1024x256xf32> to vector<4x256x256xf32>
    %add3A_108 = arith.addf %get3A_106, %reshape3A_107 : vector<4x256x256xf32>
    %swap3A_109 = arith.constant 0 : index
    %swap3A_110 = arith.constant 1 : index
    %swap3A_111 = arith.constant 0 : index
    %swap3A_112 = arith.index_cast %mul3A_76 : i32 to index
    %swap3A_113 = vector.load %arg6[%swap3A_109, %swap3A_110, %swap3A_111, %swap3A_112] : memref<4x2x256x1152xf32, #tpu.memory_space<vmem>>, vector<4x1x256x256xf32>
    %swap3A_114 = vector.shape_cast %swap3A_113 : vector<4x1x256x256xf32> to vector<4x256x256xf32>
    %swap3A_115 = vector.shape_cast %add3A_108 : vector<4x256x256xf32> to vector<4x1x256x256xf32>
    tpu.vector_store %arg6[%swap3A_109, %swap3A_110, %swap3A_111, %swap3A_112], %swap3A_115 {strides = array<i32>} : memref<4x2x256x1152xf32, #tpu.memory_space<vmem>>, vector<4x1x256x256xf32>,
    %mul3A_116 = arith.constant 4 : i32
    %mul3A_117 = arith.muli %arg0, %mul3A_116 : i32
    %add3A_118 = arith.constant 2 : i32
    %add3A_119 = arith.addi %mul3A_117, %add3A_118 : i32
    %get3A_120 = arith.constant 2 : index
    %get3A_121 = arith.constant 0 : index
    %get3A_122 = arith.constant 0 : index
    %get3A_123 = vector.load %arg2[%get3A_120, %get3A_121, %get3A_122] : memref<4x1024x128xf32, #tpu.memory_space<vmem>>, vector<1x1024x128xf32>
    %get3A_124 = vector.shape_cast %get3A_123 : vector<1x1024x128xf32> to vector<1024x128xf32>
    %convert_element_type3A_125 = arith.truncf %get3A_124 : vector<1024x128xf32> to vector<1024x128xbf16>
    %get3A_126 = arith.constant 2 : index
    %get3A_127 = arith.constant 0 : index
    %get3A_128 = arith.constant 0 : index
    %get3A_129 = vector.load %arg3[%get3A_126, %get3A_127, %get3A_128] : memref<4x128x250xbf16, #tpu.memory_space<vmem>>, vector<1x128x250xbf16>
    %get3A_130 = vector.shape_cast %get3A_129 : vector<1x128x250xbf16> to vector<128x250xbf16>
    %dot_general3A_131 = arith.constant dense<0.000000e+00> : vector<1024x250xf32>
    %dot_general3A_132 = tpu.matmul %convert_element_type3A_125, %get3A_130, %dot_general3A_131 {dimension_numbers = #tpu.dot_dimension_numbers<[1], [0], [0], [1], [0, 0, 1, 1], [], []>, transpose_lhs_hint = false} : vector<1024x128xbf16>, vector<128x250xbf16>, vector<1024x250xf32> -> vector<1024x250xf32>
    %get3A_133 = arith.constant 0 : index
    %get3A_134 = arith.index_cast %add3A_119 : i32 to index
    %get3A_135 = memref.load %arg1[%get3A_133, %get3A_134] : memref<2x64xi32, #tpu.memory_space<smem>>
    %mul3A_136 = arith.constant 128 : i32
    %mul3A_137 = arith.muli %get3A_135, %mul3A_136 : i32
    %get3A_138 = arith.constant 1 : index
    %get3A_139 = arith.index_cast %add3A_119 : i32 to index
    %get3A_140 = memref.load %arg1[%get3A_138, %get3A_139] : memref<2x64xi32, #tpu.memory_space<smem>>
    %slice3A_141 = vector.extract_strided_slice %dot_general3A_132 {offsets = [0, 0], sizes = [1024, 125], strides = [1, 1]} : vector<1024x250xf32> to vector<1024x125xf32>
    %concatenate3A_142 = tpu.concatenate %slice3A_141, %broadcast_in_dim3A_2 in 1 : vector<1024x125xf32>, vector<1024x131xf32> -> vector<1024x256xf32>
    %roll3A_143 = tpu.dynamic_rotate %concatenate3A_142 by %get3A_140 dim 1 : vector<1024x256xf32>, i32 -> vector<1024x256xf32>
    %slice3A_144 = vector.extract_strided_slice %dot_general3A_132 {offsets = [0, 125], sizes = [1024, 125], strides = [1, 1]} : vector<1024x250xf32> to vector<1024x125xf32>
    %concatenate3A_145 = tpu.concatenate %slice3A_144, %broadcast_in_dim3A_2 in 1 : vector<1024x125xf32>, vector<1024x131xf32> -> vector<1024x256xf32>
    %roll3A_146 = tpu.dynamic_rotate %concatenate3A_145 by %get3A_140 dim 1 : vector<1024x256xf32>, i32 -> vector<1024x256xf32>
    %get3A_147 = arith.constant 0 : index
    %get3A_148 = arith.constant 0 : index
    %get3A_149 = arith.constant 0 : index
    %get3A_150 = arith.index_cast %mul3A_137 : i32 to index
    %get3A_151 = vector.load %arg6[%get3A_147, %get3A_148, %get3A_149, %get3A_150] : memref<4x2x256x1152xf32, #tpu.memory_space<vmem>>, vector<4x1x256x256xf32>
    %get3A_152 = vector.shape_cast %get3A_151 : vector<4x1x256x256xf32> to vector<4x256x256xf32>
    %reshape3A_153 = vector.shape_cast %roll3A_143 : vector<1024x256xf32> to vector<4x256x256xf32>
    %add3A_154 = arith.addf %get3A_152, %reshape3A_153 : vector<4x256x256xf32>
    %swap3A_155 = arith.constant 0 : index
    %swap3A_156 = arith.constant 0 : index
    %swap3A_157 = arith.constant 0 : index
    %swap3A_158 = arith.index_cast %mul3A_137 : i32 to index
    %swap3A_159 = vector.load %arg6[%swap3A_155, %swap3A_156, %swap3A_157, %swap3A_158] : memref<4x2x256x1152xf32, #tpu.memory_space<vmem>>, vector<4x1x256x256xf32>
    %swap3A_160 = vector.shape_cast %swap3A_159 : vector<4x1x256x256xf32> to vector<4x256x256xf32>
    %swap3A_161 = vector.shape_cast %add3A_154 : vector<4x256x256xf32> to vector<4x1x256x256xf32>
    tpu.vector_store %arg6[%swap3A_155, %swap3A_156, %swap3A_157, %swap3A_158], %swap3A_161 {strides = array<i32>} : memref<4x2x256x1152xf32, #tpu.memory_space<vmem>>, vector<4x1x256x256xf32>,
    %get3A_162 = arith.constant 0 : index
    %get3A_163 = arith.constant 1 : index
    %get3A_164 = arith.constant 0 : index
    %get3A_165 = arith.index_cast %mul3A_137 : i32 to index
    %get3A_166 = vector.load %arg6[%get3A_162, %get3A_163, %get3A_164, %get3A_165] : memref<4x2x256x1152xf32, #tpu.memory_space<vmem>>, vector<4x1x256x256xf32>
    %get3A_167 = vector.shape_cast %get3A_166 : vector<4x1x256x256xf32> to vector<4x256x256xf32>
    %reshape3A_168 = vector.shape_cast %roll3A_146 : vector<1024x256xf32> to vector<4x256x256xf32>
    %add3A_169 = arith.addf %get3A_167, %reshape3A_168 : vector<4x256x256xf32>
    %swap3A_170 = arith.constant 0 : index
    %swap3A_171 = arith.constant 1 : index
    %swap3A_172 = arith.constant 0 : index
    %swap3A_173 = arith.index_cast %mul3A_137 : i32 to index
    %swap3A_174 = vector.load %arg6[%swap3A_170, %swap3A_171, %swap3A_172, %swap3A_173] : memref<4x2x256x1152xf32, #tpu.memory_space<vmem>>, vector<4x1x256x256xf32>
    %swap3A_175 = vector.shape_cast %swap3A_174 : vector<4x1x256x256xf32> to vector<4x256x256xf32>
    %swap3A_176 = vector.shape_cast %add3A_169 : vector<4x256x256xf32> to vector<4x1x256x256xf32>
    tpu.vector_store %arg6[%swap3A_170, %swap3A_171, %swap3A_172, %swap3A_173], %swap3A_176 {strides = array<i32>} : memref<4x2x256x1152xf32, #tpu.memory_space<vmem>>, vector<4x1x256x256xf32>,
    %mul3A_177 = arith.constant 4 : i32
    %mul3A_178 = arith.muli %arg0, %mul3A_177 : i32
    %add3A_179 = arith.constant 3 : i32
    %add3A_180 = arith.addi %mul3A_178, %add3A_179 : i32
    %get3A_181 = arith.constant 3 : index
    %get3A_182 = arith.constant 0 : index
    %get3A_183 = arith.constant 0 : index
    %get3A_184 = vector.load %arg2[%get3A_181, %get3A_182, %get3A_183] : memref<4x1024x128xf32, #tpu.memory_space<vmem>>, vector<1x1024x128xf32>
    %get3A_185 = vector.shape_cast %get3A_184 : vector<1x1024x128xf32> to vector<1024x128xf32>
    %convert_element_type3A_186 = arith.truncf %get3A_185 : vector<1024x128xf32> to vector<1024x128xbf16>
    %get3A_187 = arith.constant 3 : index
    %get3A_188 = arith.constant 0 : index
    %get3A_189 = arith.constant 0 : index
    %get3A_190 = vector.load %arg3[%get3A_187, %get3A_188, %get3A_189] : memref<4x128x250xbf16, #tpu.memory_space<vmem>>, vector<1x128x250xbf16>
    %get3A_191 = vector.shape_cast %get3A_190 : vector<1x128x250xbf16> to vector<128x250xbf16>
    %dot_general3A_192 = arith.constant dense<0.000000e+00> : vector<1024x250xf32>
    %dot_general3A_193 = tpu.matmul %convert_element_type3A_186, %get3A_191, %dot_general3A_192 {dimension_numbers = #tpu.dot_dimension_numbers<[1], [0], [0], [1], [0, 0, 1, 1], [], []>, transpose_lhs_hint = false} : vector<1024x128xbf16>, vector<128x250xbf16>, vector<1024x250xf32> -> vector<1024x250xf32>
    %get3A_194 = arith.constant 0 : index
    %get3A_195 = arith.index_cast %add3A_180 : i32 to index
    %get3A_196 = memref.load %arg1[%get3A_194, %get3A_195] : memref<2x64xi32, #tpu.memory_space<smem>>
    %mul3A_197 = arith.constant 128 : i32
    %mul3A_198 = arith.muli %get3A_196, %mul3A_197 : i32
    %get3A_199 = arith.constant 1 : index
    %get3A_200 = arith.index_cast %add3A_180 : i32 to index
    %get3A_201 = memref.load %arg1[%get3A_199, %get3A_200] : memref<2x64xi32, #tpu.memory_space<smem>>
    %slice3A_202 = vector.extract_strided_slice %dot_general3A_193 {offsets = [0, 0], sizes = [1024, 125], strides = [1, 1]} : vector<1024x250xf32> to vector<1024x125xf32>
    %concatenate3A_203 = tpu.concatenate %slice3A_202, %broadcast_in_dim3A_2 in 1 : vector<1024x125xf32>, vector<1024x131xf32> -> vector<1024x256xf32>
    %roll3A_204 = tpu.dynamic_rotate %concatenate3A_203 by %get3A_201 dim 1 : vector<1024x256xf32>, i32 -> vector<1024x256xf32>
    %slice3A_205 = vector.extract_strided_slice %dot_general3A_193 {offsets = [0, 125], sizes = [1024, 125], strides = [1, 1]} : vector<1024x250xf32> to vector<1024x125xf32>
    %concatenate3A_206 = tpu.concatenate %slice3A_205, %broadcast_in_dim3A_2 in 1 : vector<1024x125xf32>, vector<1024x131xf32> -> vector<1024x256xf32>
    %roll3A_207 = tpu.dynamic_rotate %concatenate3A_206 by %get3A_201 dim 1 : vector<1024x256xf32>, i32 -> vector<1024x256xf32>
    %get3A_208 = arith.constant 0 : index
    %get3A_209 = arith.constant 0 : index
    %get3A_210 = arith.constant 0 : index
    %get3A_211 = arith.index_cast %mul3A_198 : i32 to index
    %get3A_212 = vector.load %arg6[%get3A_208, %get3A_209, %get3A_210, %get3A_211] : memref<4x2x256x1152xf32, #tpu.memory_space<vmem>>, vector<4x1x256x256xf32>
    %get3A_213 = vector.shape_cast %get3A_212 : vector<4x1x256x256xf32> to vector<4x256x256xf32>
    %reshape3A_214 = vector.shape_cast %roll3A_204 : vector<1024x256xf32> to vector<4x256x256xf32>
    %add3A_215 = arith.addf %get3A_213, %reshape3A_214 : vector<4x256x256xf32>
    %swap3A_216 = arith.constant 0 : index
    %swap3A_217 = arith.constant 0 : index
    %swap3A_218 = arith.constant 0 : index
    %swap3A_219 = arith.index_cast %mul3A_198 : i32 to index
    %swap3A_220 = vector.load %arg6[%swap3A_216, %swap3A_217, %swap3A_218, %swap3A_219] : memref<4x2x256x1152xf32, #tpu.memory_space<vmem>>, vector<4x1x256x256xf32>
    %swap3A_221 = vector.shape_cast %swap3A_220 : vector<4x1x256x256xf32> to vector<4x256x256xf32>
    %swap3A_222 = vector.shape_cast %add3A_215 : vector<4x256x256xf32> to vector<4x1x256x256xf32>
    tpu.vector_store %arg6[%swap3A_216, %swap3A_217, %swap3A_218, %swap3A_219], %swap3A_222 {strides = array<i32>} : memref<4x2x256x1152xf32, #tpu.memory_space<vmem>>, vector<4x1x256x256xf32>,
    %get3A_223 = arith.constant 0 : index
    %get3A_224 = arith.constant 1 : index
    %get3A_225 = arith.constant 0 : index
    %get3A_226 = arith.index_cast %mul3A_198 : i32 to index
    %get3A_227 = vector.load %arg6[%get3A_223, %get3A_224, %get3A_225, %get3A_226] : memref<4x2x256x1152xf32, #tpu.memory_space<vmem>>, vector<4x1x256x256xf32>
    %get3A_228 = vector.shape_cast %get3A_227 : vector<4x1x256x256xf32> to vector<4x256x256xf32>
    %reshape3A_229 = vector.shape_cast %roll3A_207 : vector<1024x256xf32> to vector<4x256x256xf32>
    %add3A_230 = arith.addf %get3A_228, %reshape3A_229 : vector<4x256x256xf32>
    %swap3A_231 = arith.constant 0 : index
    %swap3A_232 = arith.constant 1 : index
    %swap3A_233 = arith.constant 0 : index
    %swap3A_234 = arith.index_cast %mul3A_198 : i32 to index
    %swap3A_235 = vector.load %arg6[%swap3A_231, %swap3A_232, %swap3A_233, %swap3A_234] : memref<4x2x256x1152xf32, #tpu.memory_space<vmem>>, vector<4x1x256x256xf32>
    %swap3A_236 = vector.shape_cast %swap3A_235 : vector<4x1x256x256xf32> to vector<4x256x256xf32>
    %swap3A_237 = vector.shape_cast %add3A_230 : vector<4x256x256xf32> to vector<4x1x256x256xf32>
    tpu.vector_store %arg6[%swap3A_231, %swap3A_232, %swap3A_233, %swap3A_234], %swap3A_237 {strides = array<i32>} : memref<4x2x256x1152xf32, #tpu.memory_space<vmem>>, vector<4x1x256x256xf32>,
    %eq3A_238 = arith.constant 15 : i32
    %eq3A_239 = arith.cmpi eq, %arg0, %eq3A_238 : i32
    %convert_element_type3A_240 = arith.extui %eq3A_239 : i1 to i32
    %cond3A_241 = arith.constant 0 : i32
    %cond3A_242 = arith.cmpi ne, %convert_element_type3A_240, %cond3A_241 : i32
    scf.if %cond3A_242 {
      %get3A_243 = arith.constant 0 : index
      %get3A_244 = arith.constant 0 : index
      %get3A_245 = arith.constant 0 : index
      %get3A_246 = arith.constant 0 : index
      %get3A_247 = vector.load %arg6[%get3A_243, %get3A_244, %get3A_245, %get3A_246] : memref<4x2x256x1152xf32, #tpu.memory_space<vmem>>, vector<4x2x256x1088xf32>
      %get3A_248 = arith.constant 0 : index
      %get3A_249 = arith.constant 0 : index
      %get3A_250 = vector.load %arg4[%get3A_248, %get3A_249] : memref<1x1088xf32, #tpu.memory_space<vmem>>, vector<1x1088xf32>
      %div3A = arith.constant 1.000000e+00 : f32
      %div3A_251 = vector.broadcast %div3A : f32 to vector<1x1088xf32>
      %div3A_252 = arith.divf %div3A_251, %get3A_250 : vector<1x1088xf32>
      %broadcast_in_dim3A_253 = vector.shape_cast %div3A_252 : vector<1x1088xf32> to vector<1x1x1x1088xf32>
      %mul3A_254 = vector.broadcast %broadcast_in_dim3A_253 : vector<1x1x1x1088xf32> to vector<4x2x256x1088xf32>
      %mul3A_255 = arith.mulf %get3A_247, %mul3A_254 : vector<4x2x256x1088xf32>
      %swap3A_256 = arith.constant 0 : index
      %swap3A_257 = arith.constant 0 : index
      %swap3A_258 = arith.constant 0 : index
      %swap3A_259 = arith.constant 0 : index
      %swap3A_260 = vector.load %arg5[%swap3A_256, %swap3A_257, %swap3A_258, %swap3A_259] : memref<4x2x256x1088xf32, #tpu.memory_space<vmem>>, vector<4x2x256x1088xf32>
      tpu.vector_store %arg5[%swap3A_256, %swap3A_257, %swap3A_258, %swap3A_259], %mul3A_255 {strides = array<i32>} : memref<4x2x256x1088xf32, #tpu.memory_space<vmem>>, vector<4x2x256x1088xf32>,
    } else {
    }
    return
  }
  func.func @transform_0(%arg0: i32, %arg1: memref<2x64xi32, #tpu.memory_space<smem>>) -> (i32, i32, i32) {
    %c0_i32 = arith.constant 0 : i32
    %c0_i32_0 = arith.constant 0 : i32
    %c0_i32_1 = arith.constant 0 : i32
    return %arg0, %c0_i32, %c0_i32_0 : i32, i32, i32
  }
  func.func @transform_1(%arg0: i32, %arg1: memref<2x64xi32, #tpu.memory_space<smem>>) -> (i32, i32, i32) {
    %c0_i32 = arith.constant 0 : i32
    %c0_i32_0 = arith.constant 0 : i32
    %c0_i32_1 = arith.constant 0 : i32
    return %arg0, %c0_i32, %c0_i32_0 : i32, i32, i32
  }
  func.func @transform_2(%arg0: i32, %arg1: memref<2x64xi32, #tpu.memory_space<smem>>) -> (i32, i32) {
    %c0_i32 = arith.constant 0 : i32
    %c0_i32_0 = arith.constant 0 : i32
    %c0_i32_1 = arith.constant 0 : i32
    return %c0_i32, %c0_i32_0 : i32, i32
  }
  func.func @transform_3(%arg0: i32, %arg1: memref<2x64xi32, #tpu.memory_space<smem>>) -> (i32, i32, i32, i32) {
    %c0_i32 = arith.constant 0 : i32
    %c0_i32_0 = arith.constant 0 : i32
    %c0_i32_1 = arith.constant 0 : i32
    %c0_i32_2 = arith.constant 0 : i32
    %c0_i32_3 = arith.constant 0 : i32
    return %c0_i32, %c0_i32_0, %c0_i32_1, %c0_i32_2 : i32, i32, i32, i32
  }
}

</mosaic_0001>

<sc_bundles>
// kernel: sparse-core-data-format-call.cloned.1.call-start
scs
called_computation_lowered:
.L_overlay_start_0:
0x0: {  	s2 =	sld [smem:$0x3FD9]  }
0x1: {  	s3 =	sld [smem:$0x3FFE];
	_ =	sdelay $0x1  }
0x2: {  	s1 =	srdreg.scid  }
0x3: {  	s0 =	sand.u32 $0x1, s1  }
0x4: {  	s18 =	sshll.u32 s0, $0xA;
	s2 =	sadd.s32 s3, s2  }
0x5: {  	s2 =	sadd.s32 s2, s18  }
0x6: {  	[smem:$0x3FC4] =	sst s2  }
0x7: {  	_ = 	snop  }
0x8: {  	s2 =	sld [smem:$0x3FC9];
	(tm) =	ssettm $0x1  }
0x9: {  	s19 =	sld [smem:$0x3FFB];
	_ =	sdelay $0x3  }
0xa: {  	_ =	strace s19  }
0xb: {  	s3 =	sld [smem:$0x3FFC];
	_ =	sdelay $0x3  }
0xc: {  	_ =	strace s3  }
0xd: {  	s3 =	sld [smem:$0x3FFD];
	_ =	sdelay $0x3  }
0xe: {  	_ =	strace s3  }
0xf: {  	_ =	strace $0x8FFFFFFF  }
0x10: {  	s20 =	sld [smem:$0x3FDB];
	_ =	sdelay $0x1  }
0x11: {  	s4 =	simm.s32 $_scs_section_size  }
0x12: {  	s5 =	simm.s32 $_size__tile_overlayer_lowered;
	s6 =	simm.s32 $_tile_overlayer_lowered  }
0x13: {  	s23 =	simm.s32 $0x1BFF;
	s22 =	sshll.u32 s6, $0x1;
	s3 =	sadd.s32 s4, s20  }
0x14: {  	s7 =	simm.s32 $0x0;
	s21 =	sshll.u32 s5, $0x1;
	s5 =	sadd.s32 s22, s3  }
0x15: {  	[timem:s7], [sflag:s23] =	dma.local [hbm:s5], s21  }
0x16: {  	_ =	swait.ge [sflag:s23], s21  }
0x17: {  	s4 =	ssub.s32 $0x0, s21;
	[sflag:s23] =	ssyncset.done $0x0  }
0x18: {  	[sflag:s23] =	ssyncadd.s32 s4;
	_ =	sdelay $0x1  }
0x19: {  	s24 =	simm.s32 $0x1B8B  }
0x1a: {  	_ =	swait.ge [sflag:s24], $0x1  }
0x1b: {  	[sflag:s24] =	ssyncset.done $0x0  }
0x1c: {  	s26 =	simm.s32 $0x1B8E;
	s25 =	sld [smem:$0x3FFE];
	[sflag:s24] =	ssyncadd.s32 $0xFFFFFFFF  }
0x1d: {  	s27 =	simm.s32 $execute0_lowered;
	[smem:$0x3FD2] =	sst s26  }
0x1e: {  	s5 =	sshll.u32 s27, $0x1;
	_ =	strace $0x80000046;
	[dreg:$0x1] =	wrdreg $0xFFFFFFFF  }
0x1f: {  	s28 =	simm.s32 $_size_execute0_lowered;
	s3 =	sadd.s32 s3, s5;
	[dreg:$0x0] =	wrdreg $0x0  }
0x20: {  	s5 =	sshll.u32 s28, $0x1;
	[dreg:$0x2] =	wrdreg s3  }
0x21: {  	[dreg:$0x3] =	wrdreg s5  }
0x22: {  	[dreg:$0x4] =	wrdreg $0xC0  }
0x23: {  	_ =	task [dreg:s7], $0x5FFFF  }
0x24: {  	[dreg:$0x1] =	wrdreg $0xFFFFFFFF  }
0x25: {  	[dreg:$0x0] =	wrdreg $0x60  }
0x26: {  	[dreg:$0x2] =	wrdreg s2  }
0x27: {  	[dreg:$0x3] =	wrdreg s25  }
0x28: {  	[dreg:$0x4] =	wrdreg $0x9  }
0x29: {  	_ =	task.clear_ibuf [dreg:s7], $0x5FFFF;
	_ =	strace $0x90000046  }
0x2a: {  	s29 =	simm.s32 $0x9;
	_ =	strace $0x80000048  }
0x2b: {  	_ =	swait.ge [sflag:s29], $0x1  }
0x2c: {  	[sflag:s29] =	ssyncadd.s32 $0xFFFFFFFF  }
0x2d: {  	_ =	strace $0x90000048  }
0x2e: {  	_ =	sfence  }
0x2f: {  	s30 =	sld [smem:$0x0];
	_ =	sdelay $0x2  }
0x30: {  	s31 =	sshll.u32 s1, $0xD;
	s1 =	sshrl.u32 s1, $0x2  }
0x31: {  	s3 =	sand.u32 $0x4000, s31;
	s1 =	sadd.s32 s1, s30  }
0x32: {  	s0 =	sor.u32 s3, s0;
	s1 =	sshll.u32 s1, $0x11  }
0x33: {  	s0 =	sor.u32 s1, s0  }
0x34: {  	s0 =	sadd.s32 $0x8F2B, s0  }
0x35: {  	[sflag:s0] =	ssyncadd.remote.s32 $0x1  }
0x36: {  	_ =	sfence.sel $0xFFFF  }
0x37: {  	[dreg:$0x0] =	wrdreg $0xFFFFFFFF;
	(pc) =	sbr.abs _section_cstart, $3  }
0x38: {  	[dreg:$0x1] =	wrdreg $0xFFFFFFFF  }
0x39: {  	_ =	task.clear_ibuf [dreg:s7], $0x2FFFF;
	_ =	strace $0x9FFFFFFF  }
0x3a: {  	(tm) =	ssettm $0x7FFFFFFF  }
0x3b: {  	_ =	shalt  }
tec
execute0_lowered:
.L_overlay_start_1:
0x0: {  	(tag) =	ssettag $0x1  }
0x1: {  	s2 =	rddreg [dreg:$0x0]  }
0x2: {  	s1 =	rddreg [dreg:$0x1]  }
0x3: {  	s0 =	rddreg [dreg:$0x2]  }
0x4: {  	s3 =	srdreg.scid;
	_ =	strace $0x80000047;
	s5 =	simm.s32 $0x1  }
0x5: {  	s7 =	simm.s32 $0x2;
	s15 =	simm.s32 $0x0;
	p0 =	por $0x0, $0x0  }
0x6: {  	s13 =	simm.s32 $0x0;
	s12 =	simm.s32 $0x0;
	s14 =	simm.s32 $0x0  }
.Ltmp0:
0x7: {  	s8 =	simm.s32 $0x0;
	s4 =	sshll.u32 s3, $0x4;
	(pc) =	sbr.rel .LBB1_1-.Ltmp0, $4  }
0x8: {  	s3 =	sadd.s32 $0xC00, s1;
	s1 =	stileid.u32;
	s4 =	sand.u32 $0x10, s4  }
0x9: {  	s10 =	simm.s32 $0x0;
	[sflag:s5] =	ssyncpa.u1 $0x0;
	s6 =	sor.u32 s1, s4  }
0xa: {  	[sflag:s7] =	ssyncpa.u1 $0x0;
	s4 =	sand.u32 $0x3, s1;
	s6 =	sshrl.u32 s6, $0x2  }
0xb: {  	s7 =	simm.s32 $0x0;
	s11 =	smov.u32 s4;
	s9 =	smov.u32 s6  }
.LBB1_5:
0xc: {  	s16 =	sadd.s32 $0x80, s8  }
0xd: {  	s12 =	sadd.s32 $0x8, s9;
	s17 =	smov.u32 s9;
	p2 =	sgt.s32 s16, $0xFF  }
0xe: {  	s17 =	smov.u32 @p2 s12  }
0xf: {  	s18 =	smov.u32 s10;
	s12 =	sadd.s32 $0x80, s10;
	p3 =	sgt.s32 s17, $0x3F  }
0x10: {  	s18 =	smov.u32 @p3 s12  }
0x11: {  	s19 =	smov.u32 s11;
	s12 =	sadd.s32 $0x4, s11;
	p4 =	sgt.s32 s18, $0x7F  }
0x12: {  	p1 =	slt.u32 s7, $0x2;
	s19 =	smov.u32 @p4 s12  }
0x13: {  	s7 =	sadd.s32 $0x1, s7;
	s16 =	simm.s32 @p2 $0x0;
	p2 =	sgt.s32 s19, $0x3  }
0x14: {  	s15 =	smov.u32 s8;
	s19 =	smov.u32 @p2 s4;
	p2 =	sne.s32 s7, $0x12  }
.Ltmp1:
0x15: {  	s13 =	smov.u32 s9;
	s20 =	simm.s32 @!p1 $0x2;
	(pc) =	sbr.rel @!p2 .LBB1_6-.Ltmp1, $4  }
0x16: {  	s14 =	smov.u32 s11;
	p0 =	por !p0, !p0;
	_ =	swait.ge @!p1 [sflag:s20], $0x4000  }
0x17: {  	[sflag:s20] =	ssyncset.done @!p1 $0x0;
	s8 =	smov.u32 s16;
	s17 =	smov.u32 @p3 s6  }
0x18: {  	[sflag:s20] =	ssyncadd.s32 @!p1 $0xFFFFC000;
	s9 =	smov.u32 s17;
	s18 =	simm.s32 @p4 $0x0  }
0x19: {  	s12 =	smov.u32 s10;
	s10 =	smov.u32 s18;
	s11 =	smov.u32 s19  }
.LBB1_1:
0x1a: {  	p1 =	sgt.u32 s7, $0xF  }
0x1b: {  	s16 =	sxor.u32 @!p1 $0xFFFFFFFF, s7;
	s17 =	sand.u32 @!p1 $0x78, s8;
	s18 =	sshll.u32 @!p1 s9, $0x8  }
0x1c: {  	s19 =	sshll.u32 @!p1 s8, $0x3;
	s20 =	sshll.u32 @!p1 s9, $0x7;
	s16 =	sshll.u32 @!p1 s16, $0xE  }
0x1d: {  	s18 =	sand.u32 @!p1 $0x3800, s18;
	s19 =	sand.u32 @!p1 $0x3C00, s19;
	s16 =	sand.u32 @!p1 $0x4000, s16  }
0x1e: {  	s18 =	sadd.s32 @!p1 s18, s19;
	s19 =	sand.u32 @!p1 $0x300, s20;
	s20 =	sand.u32 @!p1 $0x80, s20  }
0x1f: {  	s18 =	sor.u32 @!p1 s19, s18;
	s17 =	sor.u32 @!p1 s17, s20;
	s19 =	sshll.u32 @!p1 s11, $0x12  }
0x20: {  	s20 =	sshll.u32 @!p1 s10, $0xB;
	s18 =	sshrl.u32 @!p1 s18, $0x3;
	s19 =	sadd.s32 @!p1 s2, s19  }
0x21: {  	s17 =	sshrl.u32 @!p1 s17, $0x3;
	s19 =	sadd.s32 @!p1 s20, s19;
	s20 =	sand.u32 @!p1 $0x7, s8  }
0x22: {  	s18 =	sand.u32 @!p1 $0x7E0, s18;
	s17 =	sadd.s32 @!p1 s17, s19;
	s19 =	sshll.u32 @!p1 s20, $0x12  }
0x23: {  	s17 =	sadd.s32 @!p1 s18, s17;
	s18 =	sor.u32 @!p1 $0x80, s19;
	s19 =	simm.s32 @!p1 $0x4000  }
0x24: {  	[tilespmem:s16], [sflag:$0x1] =	stream.strided.gather @!p1 [hbm4b:s17+s18], $0x4000, s19, s18, $0x38;
	[tilespmem:$0x10100] =	vst v63  }
0x25: {  	p1 =	seq.s32 s7, $0x0  }
0x26: {  	p2 =	seq.s32 @!p1 s7, $0x11  }
0x27: {  	p1 =	por p1, p2  }
.Ltmp2:
0x28: {  	_ = 	snop;
	(pc) =	sbr.rel @p1 .LBB1_5-.Ltmp2, $1  }
0x29: {  	_ =	sdelay $0x3  }
0x2a: {  	s16 =	simm.s32 $0x1  }
0x2b: {  	_ =	swait.ge [sflag:s5], $0x4000;
	s16 =	simm.s32 @!p0 $0x0  }
0x2c: {  	[sflag:s5] =	ssyncset.done $0x0;
	s17 =	sshll.u32 s16, $0xE  }
0x2d: {  	[sflag:s5] =	ssyncadd.s32 $0xFFFFC000;
	s18 =	sor.u32 $0x40, s17  }
0x2e: {  	s16 =	smul.u32 $0x10200, s16;
	v0 =	vld [tilespmem:s18+$0x30]  }
0x2f: {  	v3 =	vld [tilespmem:s18+$0xFFFFFFD0]  }
0x30: {  	s16 =	sshrl.u32 s16, $0x2;
	v4 =	vld [tilespmem:s18+$0xFFFFFFE0]  }
0x31: {  	v5 =	vld [tilespmem:s18+$0xFFFFFFF0];
	s17 =	sor.u32 $0x8000, s16  }
0x32: {  	s31 =	sand.u32 $0x1, s7;
	v1 =	vld [tilespmem:s18+$0x0];
	s19 =	sadd.s32 $0x0, s17  }
0x33: {  	v2 =	vld [tilespmem:s18+$0x10];
	s16 =	smul.u32 $0x10200, s31;
	[tilespmem:s19+$0x3870 ss:$0x81] =	vst.msk $0xffff, v0  }
0x34: {  	[tilespmem:s19+$0x810 ss:$0x81] =	vst.msk $0xffff, v3;
	v3 =	vld [tilespmem:s18+$0x20]  }
0x35: {  	s16 =	sshrl.u32 s16, $0x2;
	v0 =	vld [tilespmem:s18+$0xFFFFFFC0];
	[tilespmem:s19+$0x1020 ss:$0x81] =	vst.msk $0xffff, v4;
	s18 =	sadd.s32 $0x80, s18  }
0x36: {  	s20 =	simm.s32 $0x4;
	s21 =	simm.s32 $0x8;
	s16 =	sor.u32 $0x8000, s16;
	[tilespmem:s19+$0x1830 ss:$0x81] =	vst.msk $0xffff, v5;
	v4 =	vld [tilespmem:s18+$0x30]  }
.LBB1_3:
0x37: {  	p1 =	sne.s32 s21, $0x1FC;
	v5 =	vld [tilespmem:s18+$0xFFFFFFD0];
	[tilespmem:s19+$0x2040 ss:$0x81] =	vst.msk $0xffff, v1  }
0x38: {  	v6 =	vld [tilespmem:s18+$0xFFFFFFE0];
	[tilespmem:s19+$0x2850 ss:$0x81] =	vst.msk $0xffff, v2  }
0x39: {  	s22 =	sshra.s32 s20, $0x2;
	s20 =	smov.u32 s21;
	v7 =	vld [tilespmem:s18+$0xFFFFFFF0];
	[tilespmem:s19+$0x3060 ss:$0x81] =	vst.msk $0xffff, v3  }
.Ltmp3:
0x3a: {  	v1 =	vld [tilespmem:s18+$0x0];
	[tilespmem:s19+$0x0 ss:$0x81] =	vst.msk $0xffff, v0;
	s19 =	sadd.s32 s22, s17;
	(pc) =	sbr.rel @p1 .LBB1_3-.Ltmp3, $4  }
0x3b: {  	v2 =	vld [tilespmem:s18+$0x10];
	[tilespmem:s19+$0x3870 ss:$0x81] =	vst.msk $0xffff, v4  }
0x3c: {  	[tilespmem:s19+$0x810 ss:$0x81] =	vst.msk $0xffff, v5;
	v3 =	vld [tilespmem:s18+$0x20]  }
0x3d: {  	v0 =	vld [tilespmem:s18+$0xFFFFFFC0];
	[tilespmem:s19+$0x1020 ss:$0x81] =	vst.msk $0xffff, v6;
	s18 =	sadd.s32 $0x80, s18  }
0x3e: {  	s21 =	sadd.s32 $0x4, s21;
	v4 =	vld [tilespmem:s18+$0x30];
	[tilespmem:s19+$0x1830 ss:$0x81] =	vst.msk $0xffff, v7  }
0x3f: {  	v5 =	vld [tilespmem:s18+$0xFFFFFFD0];
	[tilespmem:s19+$0x2040 ss:$0x81] =	vst.msk $0xffff, v1  }
0x40: {  	v58 =	vld [tilespmem:s18+$0xFFFFFFE0];
	[tilespmem:s19+$0x2850 ss:$0x81] =	vst.msk $0xffff, v2  }
0x41: {  	s20 =	sshra.s32 s20, $0x2;
	v59 =	vld [tilespmem:s18+$0xFFFFFFF0];
	[tilespmem:s19+$0x3060 ss:$0x81] =	vst.msk $0xffff, v3  }
0x42: {  	v60 =	vld [tilespmem:s18+$0x0];
	s17 =	sadd.s32 s20, s17;
	[tilespmem:s19+$0x0 ss:$0x81] =	vst.msk $0xffff, v0  }
0x43: {  	v61 =	vld [tilespmem:s18+$0x10];
	[tilespmem:s17+$0x3870 ss:$0x81] =	vst.msk $0xffff, v4  }
0x44: {  	s15 =	sshll.u32 s15, $0x7;
	s26 =	sshll.u32 s12, $0x3;
	v62 =	vld [tilespmem:s18+$0x20];
	s14 =	sshll.u32 s14, $0xC;
	[tilespmem:s17+$0x810 ss:$0x81] =	vst.msk $0xffff, v5  }
0x45: {  	v63 =	vld [tilespmem:s18+$0xFFFFFFC0];
	s13 =	sshll.u32 s13, $0xE;
	s27 =	sand.u32 $0x7C00, s15;
	s19 =	sand.u32 $0x7C00, s26;
	[tilespmem:s17+$0x1020 ss:$0x81] =	vst.msk $0xffff, v58  }
0x46: {  	s29 =	sshrl.u32 s12, $0x3;
	s15 =	sand.u32 $0x380, s15;
	s28 =	sadd.s32 s19, s27;
	[tilespmem:s17+$0x1830 ss:$0x81] =	vst.msk $0xffff, v59  }
.Ltmp4:
0x47: {  	s14 =	sadd.s32 s3, s14;
	s15 =	sor.u32 s15, s28;
	[tilespmem:s17+$0x2040 ss:$0x81] =	vst.msk $0xffff, v60;
	(pc) =	sbr.rel .LBB1_5-.Ltmp4, $4  }
0x48: {  	s18 =	sand.u32 $0xF, s29;
	s13 =	sadd.s32 s13, s14;
	[tilespmem:s17+$0x2850 ss:$0x81] =	vst.msk $0xffff, v61;
	s15 =	sshrl.u32 s15, $0x3  }
0x49: {  	s13 =	sadd.s32 s18, s13;
	[tilespmem:s17+$0x3060 ss:$0x81] =	vst.msk $0xffff, v62;
	s30 =	sand.u32 $0xFF0, s15  }
0x4a: {  	s31 =	sand.u32 $0x7, s12;
	[tilespmem:s17+$0x0 ss:$0x81] =	vst.msk $0xffff, v63;
	s13 =	sadd.s32 s30, s13  }
0x4b: {  	[hbm4b:s13+s31] =	stream.linear.scatter [tilespmem:s16], [sflag:$0x2], $0x4000, $0x20;
	[tilespmem:$0x10100] =	vst v63  }
.LBB1_6:
0x4c: {  	_ =	sfence.sel $0x180000  }
0x4d: {  	s2 =	simm.s32 $0x1;
	[bflag:$0x0] =	sbarrier.arrive $0xFFFF  }
0x4e: {  	s31 =	simm.s32 $0x2;
	[sflag:s2] =	ssyncpa.u1 $0x1  }
0x4f: {  	[sflag:s31] =	ssyncpa.u1 $0x1  }
0x50: {  	p0 =	sne.s32 s1, $0x0;
	_ =	strace $0x90000047  }
0x51: {  	s0 =	sadd.s32 @!p0 $0x100000, s0;
	[bflag:$0x2] =	sbarrier.arrive $0xFFFF  }
0x52: {  	[sflag:s0] =	ssyncadd.tile.s32 @!p0 $0x1;
	_ =	shalt  }
.Lfunc_end1:
_tile_overlayer_lowered:
.L_overlay_start_2:
0x53: {  	(tag) =	ssettag $0x2  }
0x54: {  	s0 =	rddreg [dreg:$0x0];
	s2 =	stileid.u32  }
0x55: {  	s1 =	rddreg [dreg:$0x1];
	p0 =	sne.s32 s2, $0x0  }
0x56: {  	s3 =	rddreg [dreg:$0x2];
	[bflag:$0x3] =	sbarrier.arrive $0xFFFF;
	s2 =	simm.s32 @!p0 $0x1C01  }
0x57: {  	[timem:s3], [sflag:s2] =	dma.local @!p0 [hbm:s0], s1  }
0x58: {  	s0 =	simm.s32 @!p0 $0x1  }
0x59: {  	_ =	swait.ge @!p0 [sflag:s0], s1  }
0x5a: {  	s1 =	ssub.s32 @!p0 $0x0, s1;
	[sflag:s0] =	ssyncset.done @!p0 $0x0  }
0x5b: {  	[sflag:s0] =	ssyncadd.s32 @!p0 s1  }
0x5c: {  	[bflag:$0x3] =	sbarrier.arrive $0xFFFF  }
0x5d: {  	_ =	shalt  }

</sc_bundles>
